<compile_context>
chip_gen: v7x
topology: tpu7x:2x2x1
jax: 0.10.2.dev20260603
libtpu: 0.0.44.dev20260713+nightly
codegen_flags: <defaults>
</compile_context>

<pallas_src>
import functools

import jax
import jax.numpy as jnp
from jax import lax
from jax.experimental import pallas as pl
from jax.experimental.pallas import tpu as pltpu
from jax.experimental.pallas import tpu_sc as plsc

_info = plsc.get_sparse_core_info()
_NC, _NS = _info.num_cores, _info.num_subcores
_NW = _NC * _NS

_CHUNK = 400
_NBUF = 2
_NROW = 3


@functools.partial(jax.jit, static_argnums=(2, 3))
def _sc_gather(tok, table, bpw, d):
    s, b = tok.shape
    n_chunks = bpw // _CHUNK
    n_outer = n_chunks // _NBUF
    assert bpw % _CHUNK == 0 and n_chunks % _NBUF == 0
    assert (_NROW - 1) * b >= bpw
    mesh = plsc.VectorSubcoreMesh(core_axis_name="c", subcore_axis_name="s")

    @functools.partial(
        pl.kernel,
        mesh=mesh,
        out_type=jax.ShapeDtypeStruct((s * b, d), jnp.float32),
        scratch_types=[
            pltpu.VMEM((_NROW * b,), jnp.int32),
            pltpu.VMEM((_NBUF, _CHUNK, d), jnp.float32),
            pltpu.SemaphoreType.DMA,
            pltpu.SemaphoreType.DMA,
            pltpu.SemaphoreType.DMA,
        ],
    )
    def k(tok_hbm, table_hbm, out_hbm, idx_v, rows_v, s0, s1, ws):
        gsems = (s0, s1)
        wid = lax.axis_index("s") * _NC + lax.axis_index("c")
        base = wid * bpw
        r0 = base // b
        c0 = base - r0 * b
        stage = []
        for kk in range(_NROW):
            rk = jnp.minimum(r0 + kk, s - 1)
            stage.append(
                pltpu.async_copy(tok_hbm.at[rk], idx_v.at[pl.ds(kk * b, b)], ws)
            )
        for cp in stage:
            cp.wait()

        def body(i, carry):
            ioff = i * (_NBUF * _CHUNK)
            gets = []
            for bb in range(_NBUF):
                off = pl.multiple_of(c0 + ioff + bb * _CHUNK, 8)
                gets.append(
                    pltpu.async_copy(
                        table_hbm.at[idx_v.at[pl.ds(off, _CHUNK)]],
                        rows_v.at[bb],
                        gsems[bb],
                    )
                )
            puts = []
            for bb in range(_NBUF):
                off = pl.multiple_of(ioff + bb * _CHUNK, 8)
                gets[bb].wait()
                puts.append(
                    pltpu.async_copy(
                        rows_v.at[bb], out_hbm.at[pl.ds(base + off, _CHUNK)], ws
                    )
                )
            for p in puts:
                p.wait()
            return carry

        lax.fori_loop(0, n_outer, body, 0)

    return k(tok, table)


def kernel(token_ids, embed_matrix):
    b, s = token_ids.shape
    v, d = embed_matrix.shape
    tok = token_ids.T.astype(jnp.int32)
    bpw = (b * s) // _NW
    out = _sc_gather(tok, embed_matrix, bpw, d)
    return out.reshape(s, b, d).transpose(1, 0, 2)

# --- scband reference (transcript-rebuilt; emitter-appended) ---
"""Pipeline reference for scband-embedding-26044681683146 (READ-ONLY COPY).

The authoritative reference and input builder live on the scoring server;
editing this copy changes nothing except your own understanding.
"""

import jax, jax.numpy as jnp
import numpy as np

NUM_EMBEDDINGS = 100000
EMBEDDING_DIM = 128

def setup_inputs(seed: int = 0) -> dict:
    key = jax.random.key(seed)
    k1, k2 = jax.random.split(key)
    token_ids = jax.random.randint(k1, (4096, 50), 0, NUM_EMBEDDINGS, dtype=jnp.int64 if jax.config.jax_enable_x64 else jnp.int32)
    # trunc_normal(mean=0, std=1, a=-3, b=3) approximated via truncated_normal
    embed_matrix = jax.random.truncated_normal(k2, -3.0, 3.0, (NUM_EMBEDDINGS, EMBEDDING_DIM), dtype=jnp.float32)
    return {"token_ids": token_ids, "embed_matrix": embed_matrix}

def reference(token_ids, embed_matrix):
    # embed_matrix[token_ids] -> gather along axis 0
    return jnp.take(embed_matrix, token_ids, axis=0)

if __name__ == "__main__":
    import jax
    _d = setup_inputs()
    print(jax.jit(kernel)(*tuple(_d.values())))

</pallas_src>

<mosaic_0001>
#map = affine_map<(d0, d1) -> (0, 0)>
module attributes {stable_mosaic.version = 14 : i64} {
  func.func @k(%arg0: i32, %arg1: i32, %arg2: memref<50x4096xi32, #tpu.memory_space<hbm>>, %arg3: memref<100000x128xf32, #tpu.memory_space<hbm>>, %arg4: memref<204800x128xf32, #tpu.memory_space<hbm>>, %arg5: memref<12288xi32, #tpu.memory_space<vmem>>, %arg6: memref<2x400x128xf32, #tpu.memory_space<vmem>>, %arg7: memref<!tpu.dma_semaphore, #tpu.memory_space<semaphore_mem>>, %arg8: memref<!tpu.dma_semaphore, #tpu.memory_space<semaphore_mem>>, %arg9: memref<!tpu.dma_semaphore, #tpu.memory_space<semaphore_mem>>) attributes {dimension_semantics = [#tpu.dimension_semantics<core_parallel>, #tpu.dimension_semantics<subcore_parallel>], iteration_bounds = array<i64: 2, 16>, scalar_prefetch = 0 : i64, scratch_operands = 5 : i64, tpu.core_type = #tpu.core_type<sc_vector_subcore>, window_params = [{transform_indices = #map}, {transform_indices = #map}, {transform_indices = #map}]} {
    %mul3A = arith.constant 2 : i32
    %mul3A_0 = arith.muli %arg1, %mul3A : i32
    %add3A = arith.addi %mul3A_0, %arg0 : i32
    %mul3A_1 = arith.constant 6400 : i32
    %mul3A_2 = arith.muli %add3A, %mul3A_1 : i32
    %jit3A = arith.constant 4096 : i32
    %div3A = arith.divsi %mul3A_2, %jit3A : i32
    %sign3A = arith.constant 0 : i32
    %sign3A_3 = arith.cmpi sgt, %mul3A_2, %sign3A : i32
    %sign3A_4 = arith.extui %sign3A_3 : i1 to i32
    %sign3A_5 = arith.constant 0 : i32
    %sign3A_6 = arith.cmpi slt, %mul3A_2, %sign3A_5 : i32
    %sign3A_7 = arith.extui %sign3A_6 : i1 to i32
    %sign3A_8 = arith.subi %sign3A_4, %sign3A_7 : i32
    %sign3A_9 = arith.constant 0 : i32
    %sign3A_10 = arith.cmpi sgt, %jit3A, %sign3A_9 : i32
    %sign3A_11 = arith.extui %sign3A_10 : i1 to i32
    %sign3A_12 = arith.constant 0 : i32
    %sign3A_13 = arith.cmpi slt, %jit3A, %sign3A_12 : i32
    %sign3A_14 = arith.extui %sign3A_13 : i1 to i32
    %sign3A_15 = arith.subi %sign3A_11, %sign3A_14 : i32
    %ne3A = arith.cmpi ne, %sign3A_8, %sign3A_15 : i32
    %rem3A = arith.remsi %mul3A_2, %jit3A : i32
    %ne3A_16 = arith.constant 0 : i32
    %ne3A_17 = arith.cmpi ne, %rem3A, %ne3A_16 : i32
    %and3A = arith.andi %ne3A, %ne3A_17 : i1
    %sub3A = arith.constant 1 : i32
    %sub3A_18 = arith.subi %div3A, %sub3A : i32
    %select_n3A = arith.select %and3A, %sub3A_18, %div3A : i32
    %mul3A_19 = arith.constant 4096 : i32
    %mul3A_20 = arith.muli %select_n3A, %mul3A_19 : i32
    %sub3A_21 = arith.subi %mul3A_2, %mul3A_20 : i32
    %add3A_22 = arith.constant 0 : i32
    %add3A_23 = arith.addi %select_n3A, %add3A_22 : i32
    %min3A = arith.constant 49 : i32
    %min3A_24 = arith.minsi %add3A_23, %min3A : i32
    %dma_start3A = arith.constant 0 : i32
    %dma_start3A_25 = tpu.memref_slice %arg5[%dma_start3A] : memref<12288xi32, #tpu.memory_space<vmem>> -> memref<4096xi32, #tpu.memory_space<vmem>>
    %dma_start3A_26 = arith.constant 0 : i32
    %dma_start3A_27 = tpu.memref_slice %arg2[%min3A_24, %dma_start3A_26] : memref<50x4096xi32, #tpu.memory_space<hbm>> -> memref<1x4096xi32, #tpu.memory_space<hbm>>
    %dma_start3A_28 = tpu.memref_squeeze %dma_start3A_27 : memref<1x4096xi32, #tpu.memory_space<hbm>> -> memref<4096xi32, #tpu.memory_space<hbm>>
    %dma_start3A_29 = arith.constant 0 : i32
    %dma_start3A_30 = tpu.memref_slice %arg5[%dma_start3A_29] : memref<12288xi32, #tpu.memory_space<vmem>> -> memref<4096xi32, #tpu.memory_space<vmem>>
    %dma_start3A_31 = arith.constant 0 : i32
    %dma_start3A_32 = tpu.memref_slice %arg2[%min3A_24, %dma_start3A_31] : memref<50x4096xi32, #tpu.memory_space<hbm>> -> memref<1x4096xi32, #tpu.memory_space<hbm>>
    %dma_start3A_33 = tpu.memref_squeeze %dma_start3A_32 : memref<1x4096xi32, #tpu.memory_space<hbm>> -> memref<4096xi32, #tpu.memory_space<hbm>>
    tpu.enqueue_dma source(%dma_start3A_33 : memref<4096xi32, #tpu.memory_space<hbm>>) target(%dma_start3A_30 : memref<4096xi32, #tpu.memory_space<vmem>>) target_semaphore(%arg9 : memref<!tpu.dma_semaphore, #tpu.memory_space<semaphore_mem>>)
    %add3A_34 = arith.constant 1 : i32
    %add3A_35 = arith.addi %select_n3A, %add3A_34 : i32
    %min3A_36 = arith.constant 49 : i32
    %min3A_37 = arith.minsi %add3A_35, %min3A_36 : i32
    %dma_start3A_38 = arith.constant 4096 : i32
    %dma_start3A_39 = tpu.memref_slice %arg5[%dma_start3A_38] : memref<12288xi32, #tpu.memory_space<vmem>> -> memref<4096xi32, #tpu.memory_space<vmem>>
    %dma_start3A_40 = arith.constant 0 : i32
    %dma_start3A_41 = tpu.memref_slice %arg2[%min3A_37, %dma_start3A_40] : memref<50x4096xi32, #tpu.memory_space<hbm>> -> memref<1x4096xi32, #tpu.memory_space<hbm>>
    %dma_start3A_42 = tpu.memref_squeeze %dma_start3A_41 : memref<1x4096xi32, #tpu.memory_space<hbm>> -> memref<4096xi32, #tpu.memory_space<hbm>>
    %dma_start3A_43 = arith.constant 4096 : i32
    %dma_start3A_44 = tpu.memref_slice %arg5[%dma_start3A_43] : memref<12288xi32, #tpu.memory_space<vmem>> -> memref<4096xi32, #tpu.memory_space<vmem>>
    %dma_start3A_45 = arith.constant 0 : i32
    %dma_start3A_46 = tpu.memref_slice %arg2[%min3A_37, %dma_start3A_45] : memref<50x4096xi32, #tpu.memory_space<hbm>> -> memref<1x4096xi32, #tpu.memory_space<hbm>>
    %dma_start3A_47 = tpu.memref_squeeze %dma_start3A_46 : memref<1x4096xi32, #tpu.memory_space<hbm>> -> memref<4096xi32, #tpu.memory_space<hbm>>
    tpu.enqueue_dma source(%dma_start3A_47 : memref<4096xi32, #tpu.memory_space<hbm>>) target(%dma_start3A_44 : memref<4096xi32, #tpu.memory_space<vmem>>) target_semaphore(%arg9 : memref<!tpu.dma_semaphore, #tpu.memory_space<semaphore_mem>>)
    %add3A_48 = arith.constant 2 : i32
    %add3A_49 = arith.addi %select_n3A, %add3A_48 : i32
    %min3A_50 = arith.constant 49 : i32
    %min3A_51 = arith.minsi %add3A_49, %min3A_50 : i32
    %dma_start3A_52 = arith.constant 8192 : i32
    %dma_start3A_53 = tpu.memref_slice %arg5[%dma_start3A_52] : memref<12288xi32, #tpu.memory_space<vmem>> -> memref<4096xi32, #tpu.memory_space<vmem>>
    %dma_start3A_54 = arith.constant 0 : i32
    %dma_start3A_55 = tpu.memref_slice %arg2[%min3A_51, %dma_start3A_54] : memref<50x4096xi32, #tpu.memory_space<hbm>> -> memref<1x4096xi32, #tpu.memory_space<hbm>>
    %dma_start3A_56 = tpu.memref_squeeze %dma_start3A_55 : memref<1x4096xi32, #tpu.memory_space<hbm>> -> memref<4096xi32, #tpu.memory_space<hbm>>
    %dma_start3A_57 = arith.constant 8192 : i32
    %dma_start3A_58 = tpu.memref_slice %arg5[%dma_start3A_57] : memref<12288xi32, #tpu.memory_space<vmem>> -> memref<4096xi32, #tpu.memory_space<vmem>>
    %dma_start3A_59 = arith.constant 0 : i32
    %dma_start3A_60 = tpu.memref_slice %arg2[%min3A_51, %dma_start3A_59] : memref<50x4096xi32, #tpu.memory_space<hbm>> -> memref<1x4096xi32, #tpu.memory_space<hbm>>
    %dma_start3A_61 = tpu.memref_squeeze %dma_start3A_60 : memref<1x4096xi32, #tpu.memory_space<hbm>> -> memref<4096xi32, #tpu.memory_space<hbm>>
    tpu.enqueue_dma source(%dma_start3A_61 : memref<4096xi32, #tpu.memory_space<hbm>>) target(%dma_start3A_58 : memref<4096xi32, #tpu.memory_space<vmem>>) target_semaphore(%arg9 : memref<!tpu.dma_semaphore, #tpu.memory_space<semaphore_mem>>)
    %dma_wait3A = arith.constant 0 : i32
    %dma_wait3A_62 = tpu.memref_slice %arg5[%dma_wait3A] : memref<12288xi32, #tpu.memory_space<vmem>> -> memref<4096xi32, #tpu.memory_space<vmem>>
    %dma_wait3A_63 = arith.constant 0 : i32
    %dma_wait3A_64 = tpu.memref_slice %arg2[%min3A_24, %dma_wait3A_63] : memref<50x4096xi32, #tpu.memory_space<hbm>> -> memref<1x4096xi32, #tpu.memory_space<hbm>>
    %dma_wait3A_65 = tpu.memref_squeeze %dma_wait3A_64 : memref<1x4096xi32, #tpu.memory_space<hbm>> -> memref<4096xi32, #tpu.memory_space<hbm>>
    %dma_wait3A_66 = arith.constant 0 : i32
    %dma_wait3A_67 = tpu.memref_slice %arg5[%dma_wait3A_66] : memref<12288xi32, #tpu.memory_space<vmem>> -> memref<4096xi32, #tpu.memory_space<vmem>>
    %dma_wait3A_68 = arith.constant 0 : i32
    %dma_wait3A_69 = tpu.memref_slice %arg2[%min3A_24, %dma_wait3A_68] : memref<50x4096xi32, #tpu.memory_space<hbm>> -> memref<1x4096xi32, #tpu.memory_space<hbm>>
    %dma_wait3A_70 = tpu.memref_squeeze %dma_wait3A_69 : memref<1x4096xi32, #tpu.memory_space<hbm>> -> memref<4096xi32, #tpu.memory_space<hbm>>
    tpu.wait_dma2 semaphore(%arg9 : memref<!tpu.dma_semaphore, #tpu.memory_space<semaphore_mem>>) src(%dma_wait3A_70 : memref<4096xi32, #tpu.memory_space<hbm>>) dst(%dma_wait3A_67 : memref<4096xi32, #tpu.memory_space<vmem>>)
    %dma_wait3A_71 = arith.constant 4096 : i32
    %dma_wait3A_72 = tpu.memref_slice %arg5[%dma_wait3A_71] : memref<12288xi32, #tpu.memory_space<vmem>> -> memref<4096xi32, #tpu.memory_space<vmem>>
    %dma_wait3A_73 = arith.constant 0 : i32
    %dma_wait3A_74 = tpu.memref_slice %arg2[%min3A_37, %dma_wait3A_73] : memref<50x4096xi32, #tpu.memory_space<hbm>> -> memref<1x4096xi32, #tpu.memory_space<hbm>>
    %dma_wait3A_75 = tpu.memref_squeeze %dma_wait3A_74 : memref<1x4096xi32, #tpu.memory_space<hbm>> -> memref<4096xi32, #tpu.memory_space<hbm>>
    %dma_wait3A_76 = arith.constant 4096 : i32
    %dma_wait3A_77 = tpu.memref_slice %arg5[%dma_wait3A_76] : memref<12288xi32, #tpu.memory_space<vmem>> -> memref<4096xi32, #tpu.memory_space<vmem>>
    %dma_wait3A_78 = arith.constant 0 : i32
    %dma_wait3A_79 = tpu.memref_slice %arg2[%min3A_37, %dma_wait3A_78] : memref<50x4096xi32, #tpu.memory_space<hbm>> -> memref<1x4096xi32, #tpu.memory_space<hbm>>
    %dma_wait3A_80 = tpu.memref_squeeze %dma_wait3A_79 : memref<1x4096xi32, #tpu.memory_space<hbm>> -> memref<4096xi32, #tpu.memory_space<hbm>>
    tpu.wait_dma2 semaphore(%arg9 : memref<!tpu.dma_semaphore, #tpu.memory_space<semaphore_mem>>) src(%dma_wait3A_80 : memref<4096xi32, #tpu.memory_space<hbm>>) dst(%dma_wait3A_77 : memref<4096xi32, #tpu.memory_space<vmem>>)
    %dma_wait3A_81 = arith.constant 8192 : i32
    %dma_wait3A_82 = tpu.memref_slice %arg5[%dma_wait3A_81] : memref<12288xi32, #tpu.memory_space<vmem>> -> memref<4096xi32, #tpu.memory_space<vmem>>
    %dma_wait3A_83 = arith.constant 0 : i32
    %dma_wait3A_84 = tpu.memref_slice %arg2[%min3A_51, %dma_wait3A_83] : memref<50x4096xi32, #tpu.memory_space<hbm>> -> memref<1x4096xi32, #tpu.memory_space<hbm>>
    %dma_wait3A_85 = tpu.memref_squeeze %dma_wait3A_84 : memref<1x4096xi32, #tpu.memory_space<hbm>> -> memref<4096xi32, #tpu.memory_space<hbm>>
    %dma_wait3A_86 = arith.constant 8192 : i32
    %dma_wait3A_87 = tpu.memref_slice %arg5[%dma_wait3A_86] : memref<12288xi32, #tpu.memory_space<vmem>> -> memref<4096xi32, #tpu.memory_space<vmem>>
    %dma_wait3A_88 = arith.constant 0 : i32
    %dma_wait3A_89 = tpu.memref_slice %arg2[%min3A_51, %dma_wait3A_88] : memref<50x4096xi32, #tpu.memory_space<hbm>> -> memref<1x4096xi32, #tpu.memory_space<hbm>>
    %dma_wait3A_90 = tpu.memref_squeeze %dma_wait3A_89 : memref<1x4096xi32, #tpu.memory_space<hbm>> -> memref<4096xi32, #tpu.memory_space<hbm>>
    tpu.wait_dma2 semaphore(%arg9 : memref<!tpu.dma_semaphore, #tpu.memory_space<semaphore_mem>>) src(%dma_wait3A_90 : memref<4096xi32, #tpu.memory_space<hbm>>) dst(%dma_wait3A_87 : memref<4096xi32, #tpu.memory_space<vmem>>)
    %scan3A = arith.constant 0 : i32
    %scan3A_91 = arith.constant 0 : i32
    %scan3A_92 = arith.constant 8 : i32
    %scan3A_93 = arith.addi %scan3A_91, %scan3A_92 : i32
    %scan3A_94 = arith.constant 1 : i32
    scf.for %scan3A_96 = %scan3A_91 to %scan3A_93 step %scan3A_94  : i32 {
      %mul3A_97 = arith.constant 800 : i32
      %mul3A_98 = arith.muli %scan3A_96, %mul3A_97 : i32
      %add3A_99 = arith.addi %sub3A_21, %mul3A_98 : i32
      %add3A_100 = arith.constant 0 : i32
      %add3A_101 = arith.addi %add3A_99, %add3A_100 : i32
      %multiple_of3A = tpu.assume_multiple %add3A_101, 8 : i32
      %dma_start3A_102 = arith.constant 0 : i32
      %dma_start3A_103 = arith.constant 0 : i32
      %dma_start3A_104 = arith.constant 0 : i32
      %dma_start3A_105 = tpu.memref_slice %arg6[%dma_start3A_102, %dma_start3A_103, %dma_start3A_104] : memref<2x400x128xf32, #tpu.memory_space<vmem>> -> memref<1x400x128xf32, #tpu.memory_space<vmem>>
      %dma_start3A_106 = tpu.memref_squeeze %dma_start3A_105 : memref<1x400x128xf32, #tpu.memory_space<vmem>> -> memref<400x128xf32, #tpu.memory_space<vmem>>
      %dma_start3A_107 = tpu.memref_slice %arg5[%multiple_of3A] : memref<12288xi32, #tpu.memory_space<vmem>> -> memref<400xi32, #tpu.memory_space<vmem>>
      %dma_start3A_108 = arith.constant 0 : i32
      %dma_start3A_109 = arith.constant 0 : i32
      %dma_start3A_110 = tpu.memref_slice %arg3[%dma_start3A_108, %dma_start3A_109] : memref<100000x128xf32, #tpu.memory_space<hbm>> -> memref<100000x128xf32, #tpu.memory_space<hbm>>
      tpu.enqueue_indirect_dma source(%dma_start3A_110 : memref<100000x128xf32, #tpu.memory_space<hbm>>) target(%dma_start3A_106 : memref<400x128xf32, #tpu.memory_space<vmem>>) offsets(%dma_start3A_107 : memref<400xi32, #tpu.memory_space<vmem>>) semaphore(%arg7 : memref<!tpu.dma_semaphore, #tpu.memory_space<semaphore_mem>>)
      %add3A_111 = arith.addi %sub3A_21, %mul3A_98 : i32
      %add3A_112 = arith.constant 400 : i32
      %add3A_113 = arith.addi %add3A_111, %add3A_112 : i32
      %multiple_of3A_114 = tpu.assume_multiple %add3A_113, 8 : i32
      %dma_start3A_115 = arith.constant 1 : i32
      %dma_start3A_116 = arith.constant 0 : i32
      %dma_start3A_117 = arith.constant 0 : i32
      %dma_start3A_118 = tpu.memref_slice %arg6[%dma_start3A_115, %dma_start3A_116, %dma_start3A_117] : memref<2x400x128xf32, #tpu.memory_space<vmem>> -> memref<1x400x128xf32, #tpu.memory_space<vmem>>
      %dma_start3A_119 = tpu.memref_squeeze %dma_start3A_118 : memref<1x400x128xf32, #tpu.memory_space<vmem>> -> memref<400x128xf32, #tpu.memory_space<vmem>>
      %dma_start3A_120 = tpu.memref_slice %arg5[%multiple_of3A_114] : memref<12288xi32, #tpu.memory_space<vmem>> -> memref<400xi32, #tpu.memory_space<vmem>>
      %dma_start3A_121 = arith.constant 0 : i32
      %dma_start3A_122 = arith.constant 0 : i32
      %dma_start3A_123 = tpu.memref_slice %arg3[%dma_start3A_121, %dma_start3A_122] : memref<100000x128xf32, #tpu.memory_space<hbm>> -> memref<100000x128xf32, #tpu.memory_space<hbm>>
      tpu.enqueue_indirect_dma source(%dma_start3A_123 : memref<100000x128xf32, #tpu.memory_space<hbm>>) target(%dma_start3A_119 : memref<400x128xf32, #tpu.memory_space<vmem>>) offsets(%dma_start3A_120 : memref<400xi32, #tpu.memory_space<vmem>>) semaphore(%arg8 : memref<!tpu.dma_semaphore, #tpu.memory_space<semaphore_mem>>)
      %add3A_124 = arith.constant 0 : i32
      %add3A_125 = arith.addi %mul3A_98, %add3A_124 : i32
      %multiple_of3A_126 = tpu.assume_multiple %add3A_125, 8 : i32
      %dma_wait3A_127 = arith.constant 0 : i32
      %dma_wait3A_128 = arith.constant 0 : i32
      %dma_wait3A_129 = arith.constant 0 : i32
      %dma_wait3A_130 = tpu.memref_slice %arg6[%dma_wait3A_127, %dma_wait3A_128, %dma_wait3A_129] : memref<2x400x128xf32, #tpu.memory_space<vmem>> -> memref<1x400x128xf32, #tpu.memory_space<vmem>>
      %dma_wait3A_131 = tpu.memref_squeeze %dma_wait3A_130 : memref<1x400x128xf32, #tpu.memory_space<vmem>> -> memref<400x128xf32, #tpu.memory_space<vmem>>
      %dma_wait3A_132 = tpu.memref_slice %arg5[%multiple_of3A] : memref<12288xi32, #tpu.memory_space<vmem>> -> memref<400xi32, #tpu.memory_space<vmem>>
      %dma_wait3A_133 = arith.constant 0 : i32
      %dma_wait3A_134 = arith.constant 0 : i32
      %dma_wait3A_135 = tpu.memref_slice %arg3[%dma_wait3A_133, %dma_wait3A_134] : memref<100000x128xf32, #tpu.memory_space<hbm>> -> memref<100000x128xf32, #tpu.memory_space<hbm>>
      tpu.wait_indirect_dma semaphore(%arg7 : memref<!tpu.dma_semaphore, #tpu.memory_space<semaphore_mem>>) src(%dma_wait3A_135 : memref<100000x128xf32, #tpu.memory_space<hbm>>) dst(%dma_wait3A_131 : memref<400x128xf32, #tpu.memory_space<vmem>>)
      %add3A_136 = arith.addi %mul3A_2, %multiple_of3A_126 : i32
      %dma_start3A_137 = arith.constant 0 : i32
      %dma_start3A_138 = arith.constant 0 : i32
      %dma_start3A_139 = arith.constant 0 : i32
      %dma_start3A_140 = tpu.memref_slice %arg6[%dma_start3A_137, %dma_start3A_138, %dma_start3A_139] : memref<2x400x128xf32, #tpu.memory_space<vmem>> -> memref<1x400x128xf32, #tpu.memory_space<vmem>>
      %dma_start3A_141 = tpu.memref_squeeze %dma_start3A_140 : memref<1x400x128xf32, #tpu.memory_space<vmem>> -> memref<400x128xf32, #tpu.memory_space<vmem>>
      %dma_start3A_142 = arith.constant 0 : i32
      %dma_start3A_143 = tpu.memref_slice %arg4[%add3A_136, %dma_start3A_142] : memref<204800x128xf32, #tpu.memory_space<hbm>> -> memref<400x128xf32, #tpu.memory_space<hbm>>
      %dma_start3A_144 = arith.constant 0 : i32
      %dma_start3A_145 = tpu.memref_slice %arg4[%add3A_136, %dma_start3A_144] : memref<204800x128xf32, #tpu.memory_space<hbm>> -> memref<400x128xf32, #tpu.memory_space<hbm>>
      %dma_start3A_146 = arith.constant 0 : i32
      %dma_start3A_147 = arith.constant 0 : i32
      %dma_start3A_148 = tpu.memref_slice %arg6[%dma_start3A_137, %dma_start3A_146, %dma_start3A_147] : memref<2x400x128xf32, #tpu.memory_space<vmem>> -> memref<1x400x128xf32, #tpu.memory_space<vmem>>
      %dma_start3A_149 = tpu.memref_squeeze %dma_start3A_148 : memref<1x400x128xf32, #tpu.memory_space<vmem>> -> memref<400x128xf32, #tpu.memory_space<vmem>>
      tpu.enqueue_dma source(%dma_start3A_149 : memref<400x128xf32, #tpu.memory_space<vmem>>) target(%dma_start3A_145 : memref<400x128xf32, #tpu.memory_space<hbm>>) target_semaphore(%arg9 : memref<!tpu.dma_semaphore, #tpu.memory_space<semaphore_mem>>)
      %add3A_150 = arith.constant 400 : i32
      %add3A_151 = arith.addi %mul3A_98, %add3A_150 : i32
      %multiple_of3A_152 = tpu.assume_multiple %add3A_151, 8 : i32
      %dma_wait3A_153 = arith.constant 1 : i32
      %dma_wait3A_154 = arith.constant 0 : i32
      %dma_wait3A_155 = arith.constant 0 : i32
      %dma_wait3A_156 = tpu.memref_slice %arg6[%dma_wait3A_153, %dma_wait3A_154, %dma_wait3A_155] : memref<2x400x128xf32, #tpu.memory_space<vmem>> -> memref<1x400x128xf32, #tpu.memory_space<vmem>>
      %dma_wait3A_157 = tpu.memref_squeeze %dma_wait3A_156 : memref<1x400x128xf32, #tpu.memory_space<vmem>> -> memref<400x128xf32, #tpu.memory_space<vmem>>
      %dma_wait3A_158 = tpu.memref_slice %arg5[%multiple_of3A_114] : memref<12288xi32, #tpu.memory_space<vmem>> -> memref<400xi32, #tpu.memory_space<vmem>>
      %dma_wait3A_159 = arith.constant 0 : i32
      %dma_wait3A_160 = arith.constant 0 : i32
      %dma_wait3A_161 = tpu.memref_slice %arg3[%dma_wait3A_159, %dma_wait3A_160] : memref<100000x128xf32, #tpu.memory_space<hbm>> -> memref<100000x128xf32, #tpu.memory_space<hbm>>
      tpu.wait_indirect_dma semaphore(%arg8 : memref<!tpu.dma_semaphore, #tpu.memory_space<semaphore_mem>>) src(%dma_wait3A_161 : memref<100000x128xf32, #tpu.memory_space<hbm>>) dst(%dma_wait3A_157 : memref<400x128xf32, #tpu.memory_space<vmem>>)
      %add3A_162 = arith.addi %mul3A_2, %multiple_of3A_152 : i32
      %dma_start3A_163 = arith.constant 1 : i32
      %dma_start3A_164 = arith.constant 0 : i32
      %dma_start3A_165 = arith.constant 0 : i32
      %dma_start3A_166 = tpu.memref_slice %arg6[%dma_start3A_163, %dma_start3A_164, %dma_start3A_165] : memref<2x400x128xf32, #tpu.memory_space<vmem>> -> memref<1x400x128xf32, #tpu.memory_space<vmem>>
      %dma_start3A_167 = tpu.memref_squeeze %dma_start3A_166 : memref<1x400x128xf32, #tpu.memory_space<vmem>> -> memref<400x128xf32, #tpu.memory_space<vmem>>
      %dma_start3A_168 = arith.constant 0 : i32
      %dma_start3A_169 = tpu.memref_slice %arg4[%add3A_162, %dma_start3A_168] : memref<204800x128xf32, #tpu.memory_space<hbm>> -> memref<400x128xf32, #tpu.memory_space<hbm>>
      %dma_start3A_170 = arith.constant 0 : i32
      %dma_start3A_171 = tpu.memref_slice %arg4[%add3A_162, %dma_start3A_170] : memref<204800x128xf32, #tpu.memory_space<hbm>> -> memref<400x128xf32, #tpu.memory_space<hbm>>
      %dma_start3A_172 = arith.constant 0 : i32
      %dma_start3A_173 = arith.constant 0 : i32
      %dma_start3A_174 = tpu.memref_slice %arg6[%dma_start3A_163, %dma_start3A_172, %dma_start3A_173] : memref<2x400x128xf32, #tpu.memory_space<vmem>> -> memref<1x400x128xf32, #tpu.memory_space<vmem>>
      %dma_start3A_175 = tpu.memref_squeeze %dma_start3A_174 : memref<1x400x128xf32, #tpu.memory_space<vmem>> -> memref<400x128xf32, #tpu.memory_space<vmem>>
      tpu.enqueue_dma source(%dma_start3A_175 : memref<400x128xf32, #tpu.memory_space<vmem>>) target(%dma_start3A_171 : memref<400x128xf32, #tpu.memory_space<hbm>>) target_semaphore(%arg9 : memref<!tpu.dma_semaphore, #tpu.memory_space<semaphore_mem>>)
      %dma_wait3A_176 = arith.constant 0 : i32
      %dma_wait3A_177 = arith.constant 0 : i32
      %dma_wait3A_178 = arith.constant 0 : i32
      %dma_wait3A_179 = tpu.memref_slice %arg6[%dma_wait3A_176, %dma_wait3A_177, %dma_wait3A_178] : memref<2x400x128xf32, #tpu.memory_space<vmem>> -> memref<1x400x128xf32, #tpu.memory_space<vmem>>
      %dma_wait3A_180 = tpu.memref_squeeze %dma_wait3A_179 : memref<1x400x128xf32, #tpu.memory_space<vmem>> -> memref<400x128xf32, #tpu.memory_space<vmem>>
      %dma_wait3A_181 = arith.constant 0 : i32
      %dma_wait3A_182 = tpu.memref_slice %arg4[%add3A_136, %dma_wait3A_181] : memref<204800x128xf32, #tpu.memory_space<hbm>> -> memref<400x128xf32, #tpu.memory_space<hbm>>
      %dma_wait3A_183 = arith.constant 0 : i32
      %dma_wait3A_184 = tpu.memref_slice %arg4[%add3A_136, %dma_wait3A_183] : memref<204800x128xf32, #tpu.memory_space<hbm>> -> memref<400x128xf32, #tpu.memory_space<hbm>>
      %dma_wait3A_185 = arith.constant 0 : i32
      %dma_wait3A_186 = arith.constant 0 : i32
      %dma_wait3A_187 = tpu.memref_slice %arg6[%dma_wait3A_176, %dma_wait3A_185, %dma_wait3A_186] : memref<2x400x128xf32, #tpu.memory_space<vmem>> -> memref<1x400x128xf32, #tpu.memory_space<vmem>>
      %dma_wait3A_188 = tpu.memref_squeeze %dma_wait3A_187 : memref<1x400x128xf32, #tpu.memory_space<vmem>> -> memref<400x128xf32, #tpu.memory_space<vmem>>
      tpu.wait_dma2 semaphore(%arg9 : memref<!tpu.dma_semaphore, #tpu.memory_space<semaphore_mem>>) src(%dma_wait3A_188 : memref<400x128xf32, #tpu.memory_space<vmem>>) dst(%dma_wait3A_184 : memref<400x128xf32, #tpu.memory_space<hbm>>)
      %dma_wait3A_189 = arith.constant 1 : i32
      %dma_wait3A_190 = arith.constant 0 : i32
      %dma_wait3A_191 = arith.constant 0 : i32
      %dma_wait3A_192 = tpu.memref_slice %arg6[%dma_wait3A_189, %dma_wait3A_190, %dma_wait3A_191] : memref<2x400x128xf32, #tpu.memory_space<vmem>> -> memref<1x400x128xf32, #tpu.memory_space<vmem>>
      %dma_wait3A_193 = tpu.memref_squeeze %dma_wait3A_192 : memref<1x400x128xf32, #tpu.memory_space<vmem>> -> memref<400x128xf32, #tpu.memory_space<vmem>>
      %dma_wait3A_194 = arith.constant 0 : i32
      %dma_wait3A_195 = tpu.memref_slice %arg4[%add3A_162, %dma_wait3A_194] : memref<204800x128xf32, #tpu.memory_space<hbm>> -> memref<400x128xf32, #tpu.memory_space<hbm>>
      %dma_wait3A_196 = arith.constant 0 : i32
      %dma_wait3A_197 = tpu.memref_slice %arg4[%add3A_162, %dma_wait3A_196] : memref<204800x128xf32, #tpu.memory_space<hbm>> -> memref<400x128xf32, #tpu.memory_space<hbm>>
      %dma_wait3A_198 = arith.constant 0 : i32
      %dma_wait3A_199 = arith.constant 0 : i32
      %dma_wait3A_200 = tpu.memref_slice %arg6[%dma_wait3A_189, %dma_wait3A_198, %dma_wait3A_199] : memref<2x400x128xf32, #tpu.memory_space<vmem>> -> memref<1x400x128xf32, #tpu.memory_space<vmem>>
      %dma_wait3A_201 = tpu.memref_squeeze %dma_wait3A_200 : memref<1x400x128xf32, #tpu.memory_space<vmem>> -> memref<400x128xf32, #tpu.memory_space<vmem>>
      tpu.wait_dma2 semaphore(%arg9 : memref<!tpu.dma_semaphore, #tpu.memory_space<semaphore_mem>>) src(%dma_wait3A_201 : memref<400x128xf32, #tpu.memory_space<vmem>>) dst(%dma_wait3A_197 : memref<400x128xf32, #tpu.memory_space<hbm>>)
    }
    %scan3A_95 = arith.constant 8 : i32
    return
  }
}

</mosaic_0001>

<sc_bundles>
// kernel: _sc_gather.3.cloned.1.call-start
scs
__scs_entry_jumppad:
0x0: {  	(pc) =	sbr.rel $0x88, $3  }
0x1: {  	(tag) =	ssettag $0x0;
	lr =	simm.s32 $0x1  }
0x2: {  	[smem:$0x3F9F] =	sst lr;
	_ =	strace $0xD0000000  }
0x3: {  	_ = 	snop  }
0x4: {  	_ = 	snop  }
0x5: {  	_ = 	snop  }
0x6: {  	_ = 	snop  }
0x7: {  	_ = 	snop  }
__scs_overlays_trampoline_lowered:
0x8: {  	[smem:$0x3FAE] =	sst s0  }
0x9: {  	[smem:$0x3FAF] =	sst s1  }
0xa: {  	[smem:$0x3FB0] =	sst s2  }
0xb: {  	[smem:$0x3FB1] =	sst s3  }
0xc: {  	[smem:$0x3FB2] =	sst s4  }
0xd: {  	[smem:$0x3FB3] =	sst s5  }
0xe: {  	[smem:$0x3FB4] =	sst s6  }
0xf: {  	[smem:$0x3FB5] =	sst s7  }
0x10: {  	[smem:$0x3FB6] =	sst s8  }
0x11: {  	[smem:$0x3FB7] =	sst s9;
	s0 =	simm.s32 @!p0 $0x0  }
0x12: {  	s1 =	sld [smem:$0x3F9D];
	s0 =	simm.s32 @p0 $0x1  }
0x13: {  	[smem:$0x3FB8] =	sst s0;
	s0 =	simm.s32 @!p1 $0x0  }
0x14: {  	s2 =	sld [smem:$0x3F9C];
	s0 =	simm.s32 @p1 $0x1  }
0x15: {  	[smem:$0x3FB9] =	sst s0;
	s0 =	simm.s32 @!p2 $0x0  }
0x16: {  	s3 =	sld [smem:$0x3FDB];
	s0 =	simm.s32 @p2 $0x1  }
0x17: {  	s4 =	simm.s32 $0x1BF5;
	[smem:$0x3FBB] =	sst s0  }
0x18: {  	s0 =	sld [smem:$0x3F9E];
	_ =	swait.ge [sflag:s4], $0x0  }
0x19: {  	s7 =	sld [smem:$0x3F9F]  }
0x1a: {  	s8 =	sadd.s32 $0xFFFFE003, lr  }
0x1b: {  	s9 =	sadd.s32 $0xFFFFFEF7, lr;
	s5 =	simm.s32 $0xFFFFFFFF;
	p2 =	slt.u32 s8, $0xFFFFF086  }
0x1c: {  	p1 =	slt.u32 s9, $0xF7A;
	s5 =	simm.s32 @!p2 $0x0  }
0x1d: {  	s5 =	simm.s32 @p1 $0x1;
	p0 =	seq.s32 s7, s2  }
0x1e: {  	s7 =	smul.u32 @!p0 $0xF7A, s2;
	p2 =	seq.s32 @!p0 s5, $0x0  }
0x1f: {  	s9 =	smul.u32 $0xF7A, s1;
	s8 =	simm.s32 @!p0 $0x1BF5;
	p2 =	por !p2, p0  }
0x20: {  	[sflag:s8] =	ssyncset.s32 @!p0 $0xFFFFF086;
	s6 =	sadd.s32 @!p0 s3, s7;
	s7 =	simm.s32 @!p0 $0x108  }
0x21: {  	s3 =	sadd.s32 s3, s9;
	s6 =	sadd.s32 @!p0 $0x88, s6;
	s7 =	simm.s32 @p2 $0x1082  }
0x22: {  	[simem:s7], [sflag:s8] =	dma.local @!p0 [hbm:s6], $0xF7A  }
0x23: {  	s9 =	sor.u32 $0xD0000000, s2;
	s6 =	simm.s32 $0x108;
	_ =	swait.ge @!p0 [sflag:s8], $0x0  }
0x24: {  	s3 =	sadd.s32 $0x88, s3;
	s6 =	simm.s32 @!p1 $0x1082;
	[sflag:s4] =	ssyncset.s32 $0xFFFFF086  }
0x25: {  	[simem:s6], [sflag:s4] =	dma.local [hbm:s3], $0xF7A  }
0x26: {  	[smem:$0x3F9F] =	sst s1;
	(tag) =	ssettag s2;
	_ =	strace s9  }
0x27: {  	s1 =	sld [smem:$0x3FAF]  }
0x28: {  	s2 =	sld [smem:$0x3FB0]  }
0x29: {  	s4 =	sld [smem:$0x3FB2]  }
0x2a: {  	p0 =	seq.s32 s5, $0x0;
	s5 =	sld [smem:$0x3FB3]  }
0x2b: {  	s6 =	sld [smem:$0x3FB4]  }
0x2c: {  	s7 =	sld [smem:$0x3FB5]  }
0x2d: {  	s3 =	simm.s32 $0x108;
	s8 =	sld [smem:$0x3FB6]  }
0x2e: {  	s3 =	simm.s32 @!p0 $0x1082;
	s9 =	sld [smem:$0x3FB7]  }
0x2f: {  	lr =	sadd.s32 s0, s3;
	s0 =	sld [smem:$0x3FAE]  }
0x30: {  	s3 =	sld [smem:$0x3FB1]  }
0x31: {  	[smem:$0x3FBA] =	sst s10  }
0x32: {  	s10 =	sld [smem:$0x3FB8];
	_ =	sdelay $0x3  }
0x33: {  	p0 =	seq.s32 s10, $0x1;
	s10 =	sld [smem:$0x3FBA];
	_ =	sdelay $0x3  }
0x34: {  	[smem:$0x3FBA] =	sst s10  }
0x35: {  	s10 =	sld [smem:$0x3FB9];
	_ =	sdelay $0x3  }
0x36: {  	p1 =	seq.s32 s10, $0x1;
	s10 =	sld [smem:$0x3FBA];
	_ =	sdelay $0x3  }
0x37: {  	[smem:$0x3FBA] =	sst s10  }
0x38: {  	s10 =	sld [smem:$0x3FBB]  }
0x39: {  	_ = 	snop;
	(pc) =	sbr.ind lr, $3  }
0x3a: {  	_ = 	snop  }
0x3b: {  	_ = 	snop  }
0x3c: {  	p2 =	seq.s32 s10, $0x1;
	s10 =	sld [smem:$0x3FBA]  }
0x3d: {  	_ =	shalt  }
0x3e: {  	_ =	shalt  }
0x3f: {  	_ =	shalt  }
0x40: {  	_ =	shalt  }
0x41: {  	_ =	shalt  }
0x42: {  	_ =	shalt  }
0x43: {  	_ =	shalt  }
0x44: {  	_ =	shalt  }
0x45: {  	_ =	shalt  }
0x46: {  	_ =	shalt  }
0x47: {  	_ =	shalt  }
0x48: {  	_ =	shalt  }
0x49: {  	_ =	shalt  }
0x4a: {  	_ =	shalt  }
0x4b: {  	_ =	shalt  }
0x4c: {  	_ =	shalt  }
0x4d: {  	_ =	shalt  }
0x4e: {  	_ =	shalt  }
0x4f: {  	_ =	shalt  }
0x50: {  	_ =	shalt  }
0x51: {  	_ =	shalt  }
0x52: {  	_ =	shalt  }
0x53: {  	_ =	shalt  }
0x54: {  	_ =	shalt  }
0x55: {  	_ =	shalt  }
0x56: {  	_ =	shalt  }
0x57: {  	_ =	shalt  }
0x58: {  	_ =	shalt  }
0x59: {  	_ =	shalt  }
0x5a: {  	_ =	shalt  }
0x5b: {  	_ =	shalt  }
0x5c: {  	_ =	shalt  }
0x5d: {  	_ =	shalt  }
0x5e: {  	_ =	shalt  }
0x5f: {  	_ =	shalt  }
0x60: {  	_ =	shalt  }
0x61: {  	_ =	shalt  }
0x62: {  	_ =	shalt  }
0x63: {  	_ =	shalt  }
0x64: {  	_ =	shalt  }
0x65: {  	_ =	shalt  }
0x66: {  	_ =	shalt  }
0x67: {  	_ =	shalt  }
0x68: {  	_ =	shalt  }
0x69: {  	_ =	shalt  }
0x6a: {  	_ =	shalt  }
0x6b: {  	_ =	shalt  }
0x6c: {  	_ =	shalt  }
0x6d: {  	_ =	shalt  }
0x6e: {  	_ =	shalt  }
0x6f: {  	_ =	shalt  }
0x70: {  	_ =	shalt  }
0x71: {  	_ =	shalt  }
0x72: {  	_ =	shalt  }
0x73: {  	_ =	shalt  }
0x74: {  	_ =	shalt  }
0x75: {  	_ =	shalt  }
0x76: {  	_ =	shalt  }
0x77: {  	_ =	shalt  }
0x78: {  	_ =	shalt  }
0x79: {  	_ =	shalt  }
0x7a: {  	_ =	shalt  }
0x7b: {  	_ =	shalt  }
0x7c: {  	_ =	shalt  }
0x7d: {  	_ =	shalt  }
0x7e: {  	_ =	shalt  }
0x7f: {  	_ =	shalt  }
0x80: {  	_ =	shalt  }
0x81: {  	_ =	shalt  }
0x82: {  	_ =	shalt  }
0x83: {  	_ =	shalt  }
0x84: {  	_ =	shalt  }
0x85: {  	_ =	shalt  }
0x86: {  	_ =	shalt  }
0x87: {  	_ =	shalt  }
.Lfunc_end0:
.L_simem_size_0:
called_computation_lowered:
.L_overlay_start_0:
0x88: {  	s2 =	sld [smem:$0x3FD9]  }
0x89: {  	s3 =	sld [smem:$0x3FFE];
	_ =	sdelay $0x1  }
0x8a: {  	s1 =	srdreg.scid  }
0x8b: {  	s0 =	sand.u32 $0x1, s1  }
0x8c: {  	s18 =	sshll.u32 s0, $0xA;
	s2 =	sadd.s32 s3, s2  }
0x8d: {  	s2 =	sadd.s32 s2, s18  }
0x8e: {  	[smem:$0x3FC6] =	sst s2  }
0x8f: {  	_ = 	snop  }
0x90: {  	s2 =	sld [smem:$0x3FC9]  }
0x91: {  	s19 =	sld [smem:$0x3FC8]  }
0x92: {  	s4 =	sld [smem:$0x3FD0];
	(tm) =	ssettm $0x1  }
0x93: {  	s5 =	sld [smem:$0x3FFB];
	_ =	sdelay $0x3  }
0x94: {  	_ =	strace s5  }
0x95: {  	s5 =	sld [smem:$0x3FFC];
	_ =	sdelay $0x3  }
0x96: {  	_ =	strace s5  }
0x97: {  	s5 =	sld [smem:$0x3FFD];
	_ =	sdelay $0x3  }
0x98: {  	_ =	strace s5  }
0x99: {  	_ =	strace $0x8FFFFFFF  }
0x9a: {  	s20 =	sld [smem:$0x3FDB];
	_ =	sdelay $0x1  }
0x9b: {  	s6 =	simm.s32 $_scs_section_size  }
0x9c: {  	s7 =	simm.s32 $_size__tile_overlayer_lowered;
	s8 =	simm.s32 $_tile_overlayer_lowered  }
0x9d: {  	s23 =	simm.s32 $0x1BFF;
	s22 =	sshll.u32 s8, $0x1;
	s5 =	sadd.s32 s6, s20  }
0x9e: {  	s9 =	simm.s32 $0x0;
	s21 =	sshll.u32 s7, $0x1;
	s7 =	sadd.s32 s22, s5  }
0x9f: {  	[timem:s9], [sflag:s23] =	dma.local [hbm:s7], s21  }
0xa0: {  	_ =	swait.ge [sflag:s23], s21  }
0xa1: {  	s6 =	ssub.s32 $0x0, s21;
	[sflag:s23] =	ssyncset.done $0x0  }
0xa2: {  	[sflag:s23] =	ssyncadd.s32 s6;
	_ =	sdelay $0x1  }
0xa3: {  	s24 =	simm.s32 $0x1B8B  }
0xa4: {  	_ =	swait.ge [sflag:s24], $0x1  }
0xa5: {  	[sflag:s24] =	ssyncset.done $0x0  }
0xa6: {  	s25 =	simm.s32 $0x1B8E;
	[sflag:s24] =	ssyncadd.s32 $0xFFFFFFFF  }
0xa7: {  	s26 =	simm.s32 $execute0_lowered;
	[smem:$0x3FD2] =	sst s25  }
0xa8: {  	s6 =	sshll.u32 s26, $0x1;
	_ =	strace $0x80000046;
	[dreg:$0x1] =	wrdreg $0xFFFFFFFF  }
0xa9: {  	s28 =	simm.s32 $_size_execute0_lowered;
	s5 =	sadd.s32 s5, s6;
	[dreg:$0x0] =	wrdreg $0x0  }
0xaa: {  	s6 =	sshll.u32 s28, $0x1;
	[dreg:$0x2] =	wrdreg s5  }
0xab: {  	[dreg:$0x3] =	wrdreg s6  }
0xac: {  	[dreg:$0x4] =	wrdreg $0xC0  }
0xad: {  	_ =	task [dreg:s9], $0x5FFFF  }
0xae: {  	[dreg:$0x1] =	wrdreg $0xFFFFFFFF  }
0xaf: {  	[dreg:$0x0] =	wrdreg $0x60  }
0xb0: {  	[dreg:$0x2] =	wrdreg s2  }
0xb1: {  	[dreg:$0x3] =	wrdreg s19  }
0xb2: {  	[dreg:$0x4] =	wrdreg s4  }
0xb3: {  	[dreg:$0x5] =	wrdreg $0x9  }
0xb4: {  	_ =	task.clear_ibuf [dreg:s9], $0x6FFFF;
	_ =	strace $0x90000046  }
0xb5: {  	s29 =	simm.s32 $0x9;
	_ =	strace $0x80000048  }
0xb6: {  	_ =	swait.ge [sflag:s29], $0x1  }
0xb7: {  	[sflag:s29] =	ssyncadd.s32 $0xFFFFFFFF  }
0xb8: {  	_ =	strace $0x90000048  }
0xb9: {  	_ =	sfence  }
0xba: {  	s30 =	sld [smem:$0x0];
	_ =	sdelay $0x2  }
0xbb: {  	s31 =	sshll.u32 s1, $0xD;
	s1 =	sshrl.u32 s1, $0x2  }
0xbc: {  	s3 =	sand.u32 $0x4000, s31;
	s1 =	sadd.s32 s1, s30  }
0xbd: {  	s0 =	sor.u32 s3, s0;
	s1 =	sshll.u32 s1, $0x11  }
0xbe: {  	s0 =	sor.u32 s1, s0  }
0xbf: {  	s0 =	sadd.s32 $0x8F2B, s0  }
0xc0: {  	[sflag:s0] =	ssyncadd.remote.s32 $0x1  }
0xc1: {  	_ =	sfence.sel $0xFFFF  }
0xc2: {  	[dreg:$0x0] =	wrdreg $0xFFFFFFFF;
	(pc) =	sbr.abs _section_cstart, $3  }
0xc3: {  	[dreg:$0x1] =	wrdreg $0xFFFFFFFF  }
0xc4: {  	_ =	task.clear_ibuf [dreg:s9], $0x2FFFF;
	_ =	strace $0x9FFFFFFF  }
0xc5: {  	(tm) =	ssettm $0x7FFFFFFF  }
tec
execute0_lowered:
.L_overlay_start_1:
0x0: {  	(tag) =	ssettag $0x1  }
0x1: {  	s5 =	rddreg [dreg:$0x0]  }
0x2: {  	s2 =	rddreg [dreg:$0x1];
	s1 =	srdreg.scid  }
0x3: {  	s0 =	stileid.u32;
	s6 =	rddreg [dreg:$0x2]  }
0x4: {  	s17 =	simm.s32 $0xF800;
	s18 =	simm.s32 $0x1;
	s12 =	smul.u32 $0x32000, s0  }
0x5: {  	s19 =	simm.s32 $0x2;
	s7 =	sand.u32 $0x1, s1;
	s15 =	smul.u32 $0x3200, s0  }
0x6: {  	s20 =	simm.s32 $0x0;
	s3 =	sshll.u32 s0, $0x1;
	s14 =	smul.u32 $0x19000, s7  }
0x7: {  	s1 =	rddreg [dreg:$0x3];
	s4 =	sor.u32 s7, s3;
	s16 =	smul.u32 $0x1900, s7  }
0x8: {  	s3 =	simm.s32 $0x0;
	s8 =	ssub.s32 $0x2, s7;
	s4 =	smul.u32 $0x1900, s4  }
0x9: {  	[smem:$0x7FF] =	sst s3;
	s9 =	sshrl.u32 s8, $0x1;
	s12 =	sadd.s32 s12, s6  }
0xa: {  	_ =	strace $0x80000047;
	s8 =	ssub.s32 s8, s9;
	s30 =	sadd.s32 s14, s12  }
0xb: {  	s31 =	sadd.s32 s16, s15;
	s12 =	simm.s32 $0x1000;
	s14 =	simm.s32 $0x3  }
0xc: {  	s15 =	simm.s32 $0x190;
	s16 =	simm.s32 $0x3000;
	s28 =	sshrl.u32 s4, $0x8  }
0xd: {  	s10 =	sshrl.u32 s4, $0xC;
	s4 =	sshrl.u32 s4, $0x3;
	s7 =	smax.u32 s8, $0x1  }
0xe: {  	s8 =	sadd.s32 $0x1900, s30;
	s9 =	sand.u32 $0x70, s28;
	s4 =	sand.u32 $0x7000, s4  }
0xf: {  	s11 =	sadd.s32 $0x1, s10;
	s10 =	smin.u32 s10, $0x2F;
	s9 =	sadd.s32 s5, s9  }
0x10: {  	s29 =	sshll.u32 s11, $0x9;
	s11 =	sshll.u32 s11, $0x4;
	s10 =	sadd.s32 $0x2, s10  }
0x11: {  	s4 =	sadd.s32 s4, s9;
	s13 =	sshll.u32 s10, $0x9;
	s10 =	sshll.u32 s10, $0x4  }
0x12: {  	s9 =	sand.u32 $0xF000, s29;
	s11 =	sand.u32 $0x70, s11;
	s10 =	sand.u32 $0x70, s10  }
0x13: {  	s11 =	sadd.s32 s5, s11;
	s13 =	sand.u32 $0xF000, s13;
	s10 =	sadd.s32 s5, s10  }
0x14: {  	s5 =	sadd.s32 s9, s11;
	s9 =	sand.u32 $0xF00, s31;
	s11 =	simm.s32 $0x400  }
0x15: {  	s6 =	sadd.s32 s13, s10;
	s10 =	simm.s32 $0x80;
	s13 =	simm.s32 $0x2000  }
.LBB2_1:
0x16: {  	[tilespmem:s3], [sflag:$0x3] =	stream.strided.gather [hbm4b:s4+s10], $0x1000, s11, s10, $0x38;
	[tilespmem:$0x1C000] =	vst v63  }
0x17: {  	_ = 	snop  }
0x18: {  	[tilespmem:s12], [sflag:$0x3] =	stream.strided.gather [hbm4b:s5+s10], $0x1000, s11, s10, $0x38;
	[tilespmem:$0x1C000] =	vst v63  }
0x19: {  	_ = 	snop  }
0x1a: {  	[tilespmem:s13], [sflag:$0x3] =	stream.strided.gather [hbm4b:s6+s10], $0x1000, s11, s10, $0x38;
	[tilespmem:$0x1C000] =	vst v63  }
0x1b: {  	_ =	swait.ge [sflag:s14], $0x1000  }
0x1c: {  	[sflag:s14] =	ssyncset.done $0x0  }
0x1d: {  	[sflag:s14] =	ssyncadd.s32 $0xFFFFF000  }
0x1e: {  	_ =	swait.ge [sflag:s14], $0x1000  }
0x1f: {  	[sflag:s14] =	ssyncset.done $0x0  }
0x20: {  	[sflag:s14] =	ssyncadd.s32 $0xFFFFF000  }
0x21: {  	_ =	swait.ge [sflag:s14], $0x1000  }
0x22: {  	[sflag:s14] =	ssyncset.done $0x0  }
0x23: {  	s21 =	sadd.s32 $0x0, s9;
	[sflag:s14] =	ssyncadd.s32 $0xFFFFF000  }
0x24: {  	[tilespmem:s16], [sflag:$0x1] =	stream.indirect.gather [hbm4b:s2+s15], $0x80, s21, s15, $0xb8;
	[tilespmem:$0x1C000] =	vst v63  }
0x25: {  	s21 =	sadd.s32 $0x190, s21  }
0x26: {  	[tilespmem:s17], [sflag:$0x2] =	stream.indirect.gather [hbm4b:s2+s15], $0x80, s21, s15, $0xb8;
	[tilespmem:$0x1C000] =	vst v63  }
0x27: {  	_ =	swait.ge [sflag:s18], $0xC800  }
0x28: {  	[sflag:s18] =	ssyncset.done $0x0  }
0x29: {  	s31 =	sadd.s32 $0xFFFFE700, s8;
	[sflag:s18] =	ssyncadd.s32 $0xFFFF3800  }
0x2a: {  	[hbm4b:s31+s3] =	stream.linear.scatter [tilespmem:s16], [sflag:$0x3], $0xC800, $0x38;
	[tilespmem:$0x1C000] =	vst v63  }
0x2b: {  	_ =	swait.ge [sflag:s19], $0xC800  }
0x2c: {  	[sflag:s19] =	ssyncset.done $0x0  }
0x2d: {  	[sflag:s19] =	ssyncadd.s32 $0xFFFF3800  }
0x2e: {  	[hbm4b:s8+s3] =	stream.linear.scatter [tilespmem:s17], [sflag:$0x3], $0xC800, $0x38;
	[tilespmem:$0x1C000] =	vst v63  }
0x2f: {  	_ =	swait.ge [sflag:s14], $0xC800  }
0x30: {  	[sflag:s14] =	ssyncset.done $0x0  }
0x31: {  	[sflag:s14] =	ssyncadd.s32 $0xFFFF3800  }
0x32: {  	s22 =	simm.s32 $0x1900;
	_ =	swait.ge [sflag:s14], $0xC800  }
0x33: {  	s23 =	simm.s32 $0x320;
	s21 =	sadd.s32 $0x3200, s8;
	[sflag:s14] =	ssyncset.done $0x0  }
.LBB2_2:
0x34: {  	s23 =	sadd.s32 s23, s9  }
0x35: {  	[sflag:s14] =	ssyncadd.s32 $0xFFFF3800;
	s24 =	smov.u32 s22;
	s25 =	sadd.s32 $0xC80, s22  }
0x36: {  	[tilespmem:s16], [sflag:$0x1] =	stream.indirect.gather [hbm4b:s2+s15], $0x80, s23, s15, $0xb8;
	[tilespmem:$0x1C000] =	vst v63  }
0x37: {  	p0 =	sne.s32 s22, $0x5780;
	s22 =	sadd.s32 $0x190, s23  }
0x38: {  	[tilespmem:s17], [sflag:$0x2] =	stream.indirect.gather [hbm4b:s2+s15], $0x80, s22, s15, $0xb8;
	[tilespmem:$0x1C000] =	vst v63  }
0x39: {  	_ =	swait.ge [sflag:s18], $0xC800  }
0x3a: {  	[sflag:s18] =	ssyncset.done $0x0  }
0x3b: {  	s22 =	sadd.s32 $0xFFFFE700, s21;
	[sflag:s18] =	ssyncadd.s32 $0xFFFF3800  }
0x3c: {  	[hbm4b:s22+s3] =	stream.linear.scatter [tilespmem:s16], [sflag:$0x3], $0xC800, $0x38;
	[tilespmem:$0x1C000] =	vst v63  }
0x3d: {  	_ =	swait.ge [sflag:s19], $0xC800  }
0x3e: {  	[sflag:s19] =	ssyncset.done $0x0  }
0x3f: {  	[sflag:s19] =	ssyncadd.s32 $0xFFFF3800  }
0x40: {  	[hbm4b:s21+s3] =	stream.linear.scatter [tilespmem:s17], [sflag:$0x3], $0xC800, $0x38;
	[tilespmem:$0x1C000] =	vst v63  }
.Ltmp0:
0x41: {  	_ =	swait.ge [sflag:s14], $0xC800;
	(pc) =	sbr.rel @p0 .LBB2_2-.Ltmp0, $4  }
0x42: {  	[sflag:s14] =	ssyncset.done $0x0  }
0x43: {  	[sflag:s14] =	ssyncadd.s32 $0xFFFF3800  }
0x44: {  	s23 =	sshra.s32 s24, $0x2;
	_ =	swait.ge [sflag:s14], $0xC800  }
0x45: {  	s22 =	smov.u32 s25;
	s21 =	sadd.s32 $0x3200, s21;
	[sflag:s14] =	ssyncset.done $0x0  }
0x46: {  	s22 =	sadd.s32 s23, s9;
	[sflag:s14] =	ssyncadd.s32 $0xFFFF3800  }
0x47: {  	[tilespmem:s16], [sflag:$0x1] =	stream.indirect.gather [hbm4b:s2+s15], $0x80, s22, s15, $0xb8;
	[tilespmem:$0x1C000] =	vst v63  }
0x48: {  	s22 =	sadd.s32 $0x190, s22  }
0x49: {  	[tilespmem:s17], [sflag:$0x2] =	stream.indirect.gather [hbm4b:s2+s15], $0x80, s22, s15, $0xb8;
	[tilespmem:$0x1C000] =	vst v63  }
0x4a: {  	_ =	swait.ge [sflag:s18], $0xC800  }
0x4b: {  	[sflag:s18] =	ssyncset.done $0x0  }
0x4c: {  	s31 =	sadd.s32 $0xFFFFE700, s21;
	[sflag:s18] =	ssyncadd.s32 $0xFFFF3800  }
0x4d: {  	[hbm4b:s31+s3] =	stream.linear.scatter [tilespmem:s16], [sflag:$0x3], $0xC800, $0x38;
	[tilespmem:$0x1C000] =	vst v63  }
0x4e: {  	_ =	swait.ge [sflag:s19], $0xC800  }
0x4f: {  	[sflag:s19] =	ssyncset.done $0x0  }
0x50: {  	s20 =	sadd.s32 $0x1, s20;
	[sflag:s19] =	ssyncadd.s32 $0xFFFF3800  }
0x51: {  	[hbm4b:s21+s3] =	stream.linear.scatter [tilespmem:s17], [sflag:$0x3], $0xC800, $0x38;
	[tilespmem:$0x1C000] =	vst v63  }
0x52: {  	p0 =	sne.s32 s20, s7;
	_ =	swait.ge [sflag:s14], $0xC800  }
.Ltmp1:
0x53: {  	[sflag:s14] =	ssyncset.done $0x0;
	(pc) =	sbr.rel @p0 .LBB2_1-.Ltmp1, $4  }
0x54: {  	[sflag:s14] =	ssyncadd.s32 $0xFFFF3800  }
0x55: {  	_ =	swait.ge [sflag:s14], $0xC800  }
0x56: {  	[sflag:s14] =	ssyncset.done $0x0  }
0x57: {  	[sflag:s14] =	ssyncadd.s32 $0xFFFF3800  }
0x58: {  	_ =	sfence.sel $0x180000  }
0x59: {  	[bflag:$0x0] =	sbarrier.arrive $0xFFFF  }
0x5a: {  	p0 =	sne.s32 s0, $0x0;
	_ =	strace $0x90000047  }
0x5b: {  	s0 =	sadd.s32 @!p0 $0x100000, s1;
	[bflag:$0x2] =	sbarrier.arrive $0xFFFF  }
0x5c: {  	[sflag:s0] =	ssyncadd.tile.s32 @!p0 $0x1;
	_ =	shalt  }
.Lfunc_end2:
_tile_overlayer_lowered:
.L_overlay_start_2:
0x5d: {  	(tag) =	ssettag $0x2  }
0x5e: {  	s0 =	rddreg [dreg:$0x0];
	s2 =	stileid.u32  }
0x5f: {  	s1 =	rddreg [dreg:$0x1];
	p0 =	sne.s32 s2, $0x0  }
0x60: {  	s3 =	rddreg [dreg:$0x2];
	[bflag:$0x3] =	sbarrier.arrive $0xFFFF;
	s2 =	simm.s32 @!p0 $0x1C04  }
0x61: {  	[timem:s3], [sflag:s2] =	dma.local @!p0 [hbm:s0], s1  }
0x62: {  	s0 =	simm.s32 @!p0 $0x4  }
0x63: {  	_ =	swait.ge @!p0 [sflag:s0], s1  }
0x64: {  	s1 =	ssub.s32 @!p0 $0x0, s1;
	[sflag:s0] =	ssyncset.done @!p0 $0x0  }
0x65: {  	[sflag:s0] =	ssyncadd.s32 @!p0 s1  }
0x66: {  	[bflag:$0x3] =	sbarrier.arrive $0xFFFF  }
0x67: {  	_ =	shalt  }

</sc_bundles>
